<compile_context>
chip_gen: v7x
topology: tpu7x:2x2x1
jax: 0.10.2.dev20260603
libtpu: 0.0.44.dev20260713+nightly
codegen_flags: <defaults>
</compile_context>

<pallas_src>
import functools
import math

import jax
import jax.numpy as jnp
from jax import lax
from jax.experimental import pallas as pl
from jax.experimental.pallas import tpu as pltpu
from jax.experimental.pallas import tpu_sc as plsc


def _main_body(lr_ref, st_ref, obj_ref, mask_ref, gum_ref, wq_ref, bq_ref,
               wk_ref, bk_ref, wc_ref, bc_ref,
               logits_ref, act_ref, lp_ref, ent_ref, val_ref, flat_ref):
    P, H = lr_ref.shape[1], lr_ref.shape[2]
    O = obj_ref.shape[1]
    b = pl.program_id(0)

    lr = lr_ref[0]
    st = st_ref[0]
    obj = obj_ref[0]
    maskf = mask_ref[0]
    gum = gum_ref[0]

    q = (jnp.dot(jnp.concatenate([lr, st], axis=1), wq_ref[...],
                 preferred_element_type=jnp.float32)
         + bq_ref[...])
    key = (jnp.dot(obj, wk_ref[...], preferred_element_type=jnp.float32)
           + bk_ref[...])
    raw = (lax.dot_general(q, key, (((1,), (1,)), ((), ())),
                           preferred_element_type=jnp.float32)
           / jnp.sqrt(jnp.float32(H)))
    logits_ref[0] = raw

    masked = jnp.where(maskf > 0.0, raw, -1e30)

    m = jnp.max(masked, axis=1, keepdims=True)
    e = jnp.exp(masked - m)
    s0 = jnp.sum(e, axis=1, keepdims=True)
    s1 = jnp.sum(e * masked, axis=1, keepdims=True)
    lse = m + jnp.log(s0)
    ent_ref[0] = lse - s1 / s0

    t = masked + gum
    tm = jnp.max(t, axis=1, keepdims=True)
    iota = lax.broadcasted_iota(jnp.int32, (P, O), 1)
    idx = jnp.min(jnp.where(t == tm, iota, jnp.int32(O)), axis=1,
                  keepdims=True)
    l_at = jnp.max(jnp.where(iota == idx, masked, -jnp.inf), axis=1,
                   keepdims=True)
    act_ref[0] = idx
    lp_ref[0] = l_at - lse
    flat_ref[0] = idx + b * O

    val_ref[0] = (jnp.dot(st, wc_ref[...], preferred_element_type=jnp.float32)
                  + bc_ref[...])


def _logits_sample(last_results, state, objects, mask_f, gumbel,
                   W_q, b_q, W_k, b_k, W_c, b_c):
    B, P, H = last_results.shape
    O = objects.shape[1]
    grid = (B,)
    in_specs = [
        pl.BlockSpec((1, P, H), lambda b: (b, 0, 0)),
        pl.BlockSpec((1, P, H), lambda b: (b, 0, 0)),
        pl.BlockSpec((1, O, H), lambda b: (b, 0, 0)),
        pl.BlockSpec((1, 1, O), lambda b: (b, 0, 0)),
        pl.BlockSpec((1, P, O), lambda b: (b, 0, 0)),
        pl.BlockSpec((2 * H, H), lambda b: (0, 0)),
        pl.BlockSpec((1, H), lambda b: (0, 0)),
        pl.BlockSpec((H, H), lambda b: (0, 0)),
        pl.BlockSpec((1, H), lambda b: (0, 0)),
        pl.BlockSpec((H, 1), lambda b: (0, 0)),
        pl.BlockSpec((1, 1), lambda b: (0, 0)),
    ]
    out_shape = [
        jax.ShapeDtypeStruct((B, P, O), jnp.float32),
        jax.ShapeDtypeStruct((B, P, 1), jnp.int32),
        jax.ShapeDtypeStruct((B, P, 1), jnp.float32),
        jax.ShapeDtypeStruct((B, P, 1), jnp.float32),
        jax.ShapeDtypeStruct((B, P, 1), jnp.float32),
        jax.ShapeDtypeStruct((B, P, 1), jnp.int32),
    ]
    out_specs = [
        pl.BlockSpec((1, P, O), lambda b: (b, 0, 0)),
        pl.BlockSpec((1, P, 1), lambda b: (b, 0, 0)),
        pl.BlockSpec((1, P, 1), lambda b: (b, 0, 0)),
        pl.BlockSpec((1, P, 1), lambda b: (b, 0, 0)),
        pl.BlockSpec((1, P, 1), lambda b: (b, 0, 0)),
        pl.BlockSpec((1, P, 1), lambda b: (b, 0, 0)),
    ]
    return pl.pallas_call(
        _main_body, grid=grid, in_specs=in_specs, out_specs=out_specs,
        out_shape=out_shape,
    )(last_results, state, objects, mask_f, gumbel, W_q, b_q, W_k,
      b_k, W_c, b_c)


def _make_sc_gather(n_rows, D):
    info = plsc.get_sparse_core_info()
    NC, NS = info.num_cores, info.num_subcores
    NW = NC * NS
    per_w = n_rows // NW
    mesh = plsc.VectorSubcoreMesh(core_axis_name="c", subcore_axis_name="s")

    @functools.partial(
        pl.kernel, mesh=mesh,
        out_type=jax.ShapeDtypeStruct((n_rows, D), jnp.float32),
        scratch_types=[
            pltpu.VMEM((per_w,), jnp.int32),
            pltpu.VMEM((per_w, D), jnp.float32),
            pltpu.SemaphoreType.DMA,
        ],
    )
    def gather(table_hbm, idx_hbm, out_hbm, idx_v, rows_v, sem):
        wid = lax.axis_index("s") * NC + lax.axis_index("c")
        base = wid * per_w
        pltpu.sync_copy(idx_hbm.at[pl.ds(base, per_w)], idx_v)
        pltpu.async_copy(table_hbm.at[idx_v], rows_v, sem).wait()
        pltpu.sync_copy(rows_v, out_hbm.at[pl.ds(base, per_w)])

    return gather


def kernel(last_results, state, objects, objects_mask, W_q, b_q, W_k, b_k,
           W_c, b_c):
    B, P, H = last_results.shape
    O = objects.shape[1]

    gumbel = jax.random.gumbel(jax.random.key(42), (B, P, O), jnp.float32)
    mask_f = objects_mask.reshape(B, 1, O).astype(jnp.float32)

    logits_raw, act, lp, ent, val, flat = _logits_sample(
        last_results, state, objects, mask_f, gumbel,
        W_q, b_q.reshape(1, H), W_k, b_k.reshape(1, H),
        W_c, b_c.reshape(1, 1))

    action = act[..., 0]
    gather = _make_sc_gather(B * P, H)
    rows = gather(objects.reshape(B * O, H), flat.reshape(B * P))
    current_results = rows.reshape(B, P, H)

    return (action, lp[..., 0], ent[..., 0], val[..., 0], current_results,
            logits_raw)

# --- scband reference (transcript-rebuilt; emitter-appended) ---
"""Pipeline reference for scband-action-strategy-47072841564882 (READ-ONLY COPY).

The authoritative reference and input builder live on the scoring server;
editing this copy changes nothing except your own understanding.
"""

import jax, jax.numpy as jnp
import numpy as np

B, P, O, H = 64, 8, 8192, 128

def setup_inputs(seed: int = 0) -> dict:
    key = jax.random.key(seed)
    ks = jax.random.split(key, 8)
    return {
        "last_results": jax.random.normal(ks[0], (B, P, H), dtype=jnp.float32),
        "state": jax.random.normal(ks[1], (B, P, H), dtype=jnp.float32),
        "objects": jax.random.normal(ks[2], (B, O, H), dtype=jnp.float32),
        "objects_mask": jnp.ones((B, O), dtype=bool),
        "W_q": jax.random.normal(ks[3], (2 * H, H), dtype=jnp.float32) * 0.02,
        "b_q": jnp.zeros((H,), dtype=jnp.float32),
        "W_k": jax.random.normal(ks[4], (H, H), dtype=jnp.float32) * 0.02,
        "b_k": jnp.zeros((H,), dtype=jnp.float32),
        "W_c": jax.random.normal(ks[5], (H, 1), dtype=jnp.float32) * 0.02,
        "b_c": jnp.zeros((1,), dtype=jnp.float32),
    }


def reference(last_results, state, objects, objects_mask, W_q, b_q, W_k, b_k, W_c, b_c):
    # beta is None path: RL sampling strategy
    query = jnp.concatenate([last_results, state], axis=-1) @ W_q + b_q  # [B,P,H]
    key_t = objects @ W_k + b_k  # [B,O,H]
    d_h = query.shape[-1]
    logits_raw = jnp.einsum('bpd,bod->bpo', query, key_t) / jnp.sqrt(jnp.float32(d_h))  # [B,P,O]
    logits = jnp.where(objects_mask[:, None, :], logits_raw, -jnp.inf)
    # Categorical sample (fixed key for reproducibility)
    action = jax.random.categorical(jax.random.key(42), logits, axis=-1)  # [B,P] int
    logp = jax.nn.log_softmax(logits, axis=-1)
    log_prob = jnp.take_along_axis(logp, action[..., None], axis=-1)[..., 0]  # [B,P]
    p = jnp.exp(logp)
    entropy = -jnp.sum(jnp.where(p > 0, p * logp, 0.0), axis=-1)  # [B,P]
    value = (state @ W_c + b_c)[..., 0]  # [B,P]
    idx = jnp.broadcast_to(action[:, :, None], (objects.shape[0], action.shape[1], objects.shape[2]))
    current_results = jnp.take_along_axis(objects, idx, axis=1)  # [B,P,H]
    return (action, log_prob, entropy, value, current_results, logits_raw)

if __name__ == "__main__":
    import jax
    _d = setup_inputs()
    print(jax.jit(kernel)(*tuple(_d.values())))

</pallas_src>

<mosaic_0001>
#map = affine_map<(d0, d1) -> (0, 0)>
#map1 = affine_map<(d0, d1) -> (0)>
module attributes {stable_mosaic.version = 14 : i64} {
  func.func @gather(%arg0: i32, %arg1: i32, %arg2: memref<524288x128xf32, #tpu.memory_space<hbm>>, %arg3: memref<512xi32, #tpu.memory_space<hbm>>, %arg4: memref<512x128xf32, #tpu.memory_space<hbm>>, %arg5: memref<16xi32, #tpu.memory_space<vmem>>, %arg6: memref<16x128xf32, #tpu.memory_space<vmem>>, %arg7: memref<!tpu.dma_semaphore, #tpu.memory_space<semaphore_mem>>) attributes {dimension_semantics = [#tpu.dimension_semantics<core_parallel>, #tpu.dimension_semantics<subcore_parallel>], iteration_bounds = array<i64: 2, 16>, scalar_prefetch = 0 : i64, scratch_operands = 3 : i64, tpu.core_type = #tpu.core_type<sc_vector_subcore>, window_params = [{transform_indices = #map}, {transform_indices = #map1}, {transform_indices = #map}]} {
    %mul3A = arith.constant 2 : i32
    %mul3A_0 = arith.muli %arg1, %mul3A : i32
    %add3A = arith.addi %mul3A_0, %arg0 : i32
    %mul3A_1 = arith.constant 16 : i32
    %mul3A_2 = arith.muli %add3A, %mul3A_1 : i32
    "tpu.region"() ({
      %run_scoped3A = tpu.sem_alloc : memref<!tpu.dma_semaphore, #tpu.memory_space<semaphore_mem>>
      %dma_start3A_7 = tpu.memref_slice %arg3[%mul3A_2] : memref<512xi32, #tpu.memory_space<hbm>> -> memref<16xi32, #tpu.memory_space<hbm>>
      %dma_start3A_8 = tpu.memref_slice %arg3[%mul3A_2] : memref<512xi32, #tpu.memory_space<hbm>> -> memref<16xi32, #tpu.memory_space<hbm>>
      tpu.enqueue_dma source(%dma_start3A_8 : memref<16xi32, #tpu.memory_space<hbm>>) target(%arg5 : memref<16xi32, #tpu.memory_space<vmem>>) target_semaphore(%run_scoped3A : memref<!tpu.dma_semaphore, #tpu.memory_space<semaphore_mem>>)
      %dma_wait3A_9 = tpu.memref_slice %arg3[%mul3A_2] : memref<512xi32, #tpu.memory_space<hbm>> -> memref<16xi32, #tpu.memory_space<hbm>>
      %dma_wait3A_10 = tpu.memref_slice %arg3[%mul3A_2] : memref<512xi32, #tpu.memory_space<hbm>> -> memref<16xi32, #tpu.memory_space<hbm>>
      tpu.wait_dma2 semaphore(%run_scoped3A : memref<!tpu.dma_semaphore, #tpu.memory_space<semaphore_mem>>) src(%dma_wait3A_10 : memref<16xi32, #tpu.memory_space<hbm>>) dst(%arg5 : memref<16xi32, #tpu.memory_space<vmem>>)
      tpu.yield
    }) : () -> ()
    %dma_start3A = arith.constant 0 : i32
    %dma_start3A_3 = arith.constant 0 : i32
    %dma_start3A_4 = tpu.memref_slice %arg2[%dma_start3A, %dma_start3A_3] : memref<524288x128xf32, #tpu.memory_space<hbm>> -> memref<524288x128xf32, #tpu.memory_space<hbm>>
    tpu.enqueue_indirect_dma source(%dma_start3A_4 : memref<524288x128xf32, #tpu.memory_space<hbm>>) target(%arg6 : memref<16x128xf32, #tpu.memory_space<vmem>>) offsets(%arg5 : memref<16xi32, #tpu.memory_space<vmem>>) semaphore(%arg7 : memref<!tpu.dma_semaphore, #tpu.memory_space<semaphore_mem>>)
    %dma_wait3A = arith.constant 0 : i32
    %dma_wait3A_5 = arith.constant 0 : i32
    %dma_wait3A_6 = tpu.memref_slice %arg2[%dma_wait3A, %dma_wait3A_5] : memref<524288x128xf32, #tpu.memory_space<hbm>> -> memref<524288x128xf32, #tpu.memory_space<hbm>>
    tpu.wait_indirect_dma semaphore(%arg7 : memref<!tpu.dma_semaphore, #tpu.memory_space<semaphore_mem>>) src(%dma_wait3A_6 : memref<524288x128xf32, #tpu.memory_space<hbm>>) dst(%arg6 : memref<16x128xf32, #tpu.memory_space<vmem>>)
    "tpu.region"() ({
      %run_scoped3A = tpu.sem_alloc : memref<!tpu.dma_semaphore, #tpu.memory_space<semaphore_mem>>
      %dma_start3A_7 = arith.constant 0 : i32
      %dma_start3A_8 = tpu.memref_slice %arg4[%mul3A_2, %dma_start3A_7] : memref<512x128xf32, #tpu.memory_space<hbm>> -> memref<16x128xf32, #tpu.memory_space<hbm>>
      %dma_start3A_9 = arith.constant 0 : i32
      %dma_start3A_10 = tpu.memref_slice %arg4[%mul3A_2, %dma_start3A_9] : memref<512x128xf32, #tpu.memory_space<hbm>> -> memref<16x128xf32, #tpu.memory_space<hbm>>
      tpu.enqueue_dma source(%arg6 : memref<16x128xf32, #tpu.memory_space<vmem>>) target(%dma_start3A_10 : memref<16x128xf32, #tpu.memory_space<hbm>>) target_semaphore(%run_scoped3A : memref<!tpu.dma_semaphore, #tpu.memory_space<semaphore_mem>>)
      %dma_wait3A_11 = arith.constant 0 : i32
      %dma_wait3A_12 = tpu.memref_slice %arg4[%mul3A_2, %dma_wait3A_11] : memref<512x128xf32, #tpu.memory_space<hbm>> -> memref<16x128xf32, #tpu.memory_space<hbm>>
      %dma_wait3A_13 = arith.constant 0 : i32
      %dma_wait3A_14 = tpu.memref_slice %arg4[%mul3A_2, %dma_wait3A_13] : memref<512x128xf32, #tpu.memory_space<hbm>> -> memref<16x128xf32, #tpu.memory_space<hbm>>
      tpu.wait_dma2 semaphore(%run_scoped3A : memref<!tpu.dma_semaphore, #tpu.memory_space<semaphore_mem>>) src(%arg6 : memref<16x128xf32, #tpu.memory_space<vmem>>) dst(%dma_wait3A_14 : memref<16x128xf32, #tpu.memory_space<hbm>>)
      tpu.yield
    }) : () -> ()
    return
  }
}

module attributes {stable_mosaic.version = 14 : i64} {
  func.func @_main_body(%arg0: i32, %arg1: memref<1x8x128xf32, #tpu.memory_space<vmem>>, %arg2: memref<1x8x128xf32, #tpu.memory_space<vmem>>, %arg3: memref<1x8192x128xf32, #tpu.memory_space<vmem>>, %arg4: memref<1x1x8192xf32, #tpu.memory_space<vmem>>, %arg5: memref<1x8x8192xf32, #tpu.memory_space<vmem>>, %arg6: memref<256x128xf32, #tpu.memory_space<vmem>>, %arg7: memref<1x128xf32, #tpu.memory_space<vmem>>, %arg8: memref<128x128xf32, #tpu.memory_space<vmem>>, %arg9: memref<1x128xf32, #tpu.memory_space<vmem>>, %arg10: memref<128x1xf32, #tpu.memory_space<vmem>>, %arg11: memref<1x1xf32, #tpu.memory_space<vmem>>, %arg12: memref<1x8x8192xf32, #tpu.memory_space<vmem>>, %arg13: memref<1x8x1xi32, #tpu.memory_space<vmem>>, %arg14: memref<1x8x1xf32, #tpu.memory_space<vmem>>, %arg15: memref<1x8x1xf32, #tpu.memory_space<vmem>>, %arg16: memref<1x8x1xf32, #tpu.memory_space<vmem>>, %arg17: memref<1x8x1xi32, #tpu.memory_space<vmem>>) attributes {dimension_semantics = [#tpu.dimension_semantics<arbitrary>], iteration_bounds = array<i64: 64>, scalar_prefetch = 0 : i64, scratch_operands = 0 : i64, tpu.core_type = #tpu.core_type<tc>, window_params = [{transform_indices = @transform_0, window_bounds = array<i64: 1, 8, 128>}, {transform_indices = @transform_1, window_bounds = array<i64: 1, 8, 128>}, {transform_indices = @transform_2, window_bounds = array<i64: 1, 8192, 128>}, {transform_indices = @transform_3, window_bounds = array<i64: 1, 1, 8192>}, {transform_indices = @transform_4, window_bounds = array<i64: 1, 8, 8192>}, {pipeline_mode = #tpu.pipeline_mode<synchronous>, transform_indices = @transform_5, window_bounds = array<i64: 256, 128>}, {pipeline_mode = #tpu.pipeline_mode<synchronous>, transform_indices = @transform_6, window_bounds = array<i64: 1, 128>}, {pipeline_mode = #tpu.pipeline_mode<synchronous>, transform_indices = @transform_7, window_bounds = array<i64: 128, 128>}, {pipeline_mode = #tpu.pipeline_mode<synchronous>, transform_indices = @transform_8, window_bounds = array<i64: 1, 128>}, {pipeline_mode = #tpu.pipeline_mode<synchronous>, transform_indices = @transform_9, window_bounds = array<i64: 128, 1>}, {pipeline_mode = #tpu.pipeline_mode<synchronous>, transform_indices = @transform_10, window_bounds = array<i64: 1, 1>}, {transform_indices = @transform_11, window_bounds = array<i64: 1, 8, 8192>}, {transform_indices = @transform_12, window_bounds = array<i64: 1, 8, 1>}, {transform_indices = @transform_13, window_bounds = array<i64: 1, 8, 1>}, {transform_indices = @transform_14, window_bounds = array<i64: 1, 8, 1>}, {transform_indices = @transform_15, window_bounds = array<i64: 1, 8, 1>}, {transform_indices = @transform_16, window_bounds = array<i64: 1, 8, 1>}]} {
    %get3A = arith.constant 0 : index
    %get3A_0 = arith.constant 0 : index
    %get3A_1 = arith.constant 0 : index
    %get3A_2 = vector.load %arg1[%get3A, %get3A_0, %get3A_1] : memref<1x8x128xf32, #tpu.memory_space<vmem>>, vector<1x8x128xf32>
    %get3A_3 = vector.shape_cast %get3A_2 : vector<1x8x128xf32> to vector<8x128xf32>
    %get3A_4 = arith.constant 0 : index
    %get3A_5 = arith.constant 0 : index
    %get3A_6 = arith.constant 0 : index
    %get3A_7 = vector.load %arg2[%get3A_4, %get3A_5, %get3A_6] : memref<1x8x128xf32, #tpu.memory_space<vmem>>, vector<1x8x128xf32>
    %get3A_8 = vector.shape_cast %get3A_7 : vector<1x8x128xf32> to vector<8x128xf32>
    %get3A_9 = arith.constant 0 : index
    %get3A_10 = arith.constant 0 : index
    %get3A_11 = arith.constant 0 : index
    %get3A_12 = vector.load %arg3[%get3A_9, %get3A_10, %get3A_11] : memref<1x8192x128xf32, #tpu.memory_space<vmem>>, vector<1x8192x128xf32>
    %get3A_13 = vector.shape_cast %get3A_12 : vector<1x8192x128xf32> to vector<8192x128xf32>
    %get3A_14 = arith.constant 0 : index
    %get3A_15 = arith.constant 0 : index
    %get3A_16 = arith.constant 0 : index
    %get3A_17 = vector.load %arg4[%get3A_14, %get3A_15, %get3A_16] : memref<1x1x8192xf32, #tpu.memory_space<vmem>>, vector<1x1x8192xf32>
    %get3A_18 = vector.shape_cast %get3A_17 : vector<1x1x8192xf32> to vector<1x8192xf32>
    %get3A_19 = arith.constant 0 : index
    %get3A_20 = arith.constant 0 : index
    %get3A_21 = arith.constant 0 : index
    %get3A_22 = vector.load %arg5[%get3A_19, %get3A_20, %get3A_21] : memref<1x8x8192xf32, #tpu.memory_space<vmem>>, vector<1x8x8192xf32>
    %get3A_23 = vector.shape_cast %get3A_22 : vector<1x8x8192xf32> to vector<8x8192xf32>
    %concatenate3A = tpu.concatenate %get3A_3, %get3A_8 in 1 : vector<8x128xf32>, vector<8x128xf32> -> vector<8x256xf32>
    %get3A_24 = arith.constant 0 : index
    %get3A_25 = arith.constant 0 : index
    %get3A_26 = vector.load %arg6[%get3A_24, %get3A_25] : memref<256x128xf32, #tpu.memory_space<vmem>>, vector<256x128xf32>
    %dot_general3A = arith.constant dense<0.000000e+00> : vector<8x128xf32>
    %dot_general3A_27 = tpu.matmul %concatenate3A, %get3A_26, %dot_general3A {dimension_numbers = #tpu.dot_dimension_numbers<[1], [0], [0], [1], [0, 0, 1, 1], [], []>, transpose_lhs_hint = false} : vector<8x256xf32>, vector<256x128xf32>, vector<8x128xf32> -> vector<8x128xf32>
    %get3A_28 = arith.constant 0 : index
    %get3A_29 = arith.constant 0 : index
    %get3A_30 = vector.load %arg7[%get3A_28, %get3A_29] : memref<1x128xf32, #tpu.memory_space<vmem>>, vector<1x128xf32>
    %add3A = vector.broadcast %get3A_30 : vector<1x128xf32> to vector<8x128xf32>
    %add3A_31 = arith.addf %dot_general3A_27, %add3A : vector<8x128xf32>
    %get3A_32 = arith.constant 0 : index
    %get3A_33 = arith.constant 0 : index
    %get3A_34 = vector.load %arg8[%get3A_32, %get3A_33] : memref<128x128xf32, #tpu.memory_space<vmem>>, vector<128x128xf32>
    %dot_general3A_35 = arith.constant dense<0.000000e+00> : vector<8192x128xf32>
    %dot_general3A_36 = tpu.matmul %get3A_13, %get3A_34, %dot_general3A_35 {dimension_numbers = #tpu.dot_dimension_numbers<[1], [0], [0], [1], [0, 0, 1, 1], [], []>, transpose_lhs_hint = false} : vector<8192x128xf32>, vector<128x128xf32>, vector<8192x128xf32> -> vector<8192x128xf32>
    %get3A_37 = arith.constant 0 : index
    %get3A_38 = arith.constant 0 : index
    %get3A_39 = vector.load %arg9[%get3A_37, %get3A_38] : memref<1x128xf32, #tpu.memory_space<vmem>>, vector<1x128xf32>
    %add3A_40 = vector.broadcast %get3A_39 : vector<1x128xf32> to vector<8192x128xf32>
    %add3A_41 = arith.addf %dot_general3A_36, %add3A_40 : vector<8192x128xf32>
    %dot_general3A_42 = arith.constant dense<0.000000e+00> : vector<8x8192xf32>
    %dot_general3A_43 = tpu.matmul %add3A_31, %add3A_41, %dot_general3A_42 {dimension_numbers = #tpu.dot_dimension_numbers<[1], [1], [0], [0], [0, 0, 1, 0], [], []>, transpose_lhs_hint = false} : vector<8x128xf32>, vector<8192x128xf32>, vector<8x8192xf32> -> vector<8x8192xf32>
    %sqrt3A = arith.constant 1.280000e+02 : f32
    %sqrt3A_44 = math.sqrt %sqrt3A : f32
    %div3A = vector.broadcast %sqrt3A_44 : f32 to vector<8x8192xf32>
    %div3A_45 = arith.divf %dot_general3A_43, %div3A : vector<8x8192xf32>
    %swap3A = arith.constant 0 : index
    %swap3A_46 = arith.constant 0 : index
    %swap3A_47 = arith.constant 0 : index
    %swap3A_48 = vector.load %arg12[%swap3A, %swap3A_46, %swap3A_47] : memref<1x8x8192xf32, #tpu.memory_space<vmem>>, vector<1x8x8192xf32>
    %swap3A_49 = vector.shape_cast %swap3A_48 : vector<1x8x8192xf32> to vector<8x8192xf32>
    %swap3A_50 = vector.shape_cast %div3A_45 : vector<8x8192xf32> to vector<1x8x8192xf32>
    tpu.vector_store %arg12[%swap3A, %swap3A_46, %swap3A_47], %swap3A_50 {strides = array<i32>} : memref<1x8x8192xf32, #tpu.memory_space<vmem>>, vector<1x8x8192xf32>,
    %gt3A = arith.constant 0.000000e+00 : f32
    %gt3A_51 = vector.broadcast %gt3A : f32 to vector<1x8192xf32>
    %gt3A_52 = arith.cmpf ogt, %get3A_18, %gt3A_51 : vector<1x8192xf32>
    %jit3A = arith.constant -1.000000e+30 : f32
    %broadcast_in_dim3A = vector.shape_cast %gt3A_52 : vector<1x8192xi1> to vector<1x8192xi1>
    %broadcast_in_dim3A_53 = vector.broadcast %broadcast_in_dim3A : vector<1x8192xi1> to vector<8x8192xi1>
    %broadcast_in_dim3A_54 = vector.broadcast %jit3A : f32 to vector<8x8192xf32>
    %select_n3A = arith.select %broadcast_in_dim3A_53, %div3A_45, %broadcast_in_dim3A_54 : vector<8x8192xi1>, vector<8x8192xf32>
    %reduce_max3A = arith.constant dense<0xFF800000> : vector<8xf32>
    %reduce_max3A_55 = vector.multi_reduction <maximumf>, %select_n3A, %reduce_max3A [1] : vector<8x8192xf32> to vector<8xf32>
    %broadcast_in_dim3A_56 = vector.shape_cast %reduce_max3A_55 : vector<8xf32> to vector<8x1xf32>
    %sub3A = vector.broadcast %broadcast_in_dim3A_56 : vector<8x1xf32> to vector<8x8192xf32>
    %sub3A_57 = arith.subf %select_n3A, %sub3A : vector<8x8192xf32>
    %exp3A = math.exp %sub3A_57 : vector<8x8192xf32>
    %reduce_sum3A = arith.constant dense<0.000000e+00> : vector<8xf32>
    %reduce_sum3A_58 = vector.multi_reduction <add>, %exp3A, %reduce_sum3A [1] : vector<8x8192xf32> to vector<8xf32>
    %broadcast_in_dim3A_59 = vector.shape_cast %reduce_sum3A_58 : vector<8xf32> to vector<8x1xf32>
    %mul3A = arith.mulf %exp3A, %select_n3A : vector<8x8192xf32>
    %reduce_sum3A_60 = arith.constant dense<0.000000e+00> : vector<8xf32>
    %reduce_sum3A_61 = vector.multi_reduction <add>, %mul3A, %reduce_sum3A_60 [1] : vector<8x8192xf32> to vector<8xf32>
    %broadcast_in_dim3A_62 = vector.shape_cast %reduce_sum3A_61 : vector<8xf32> to vector<8x1xf32>
    %log3A = math.log %broadcast_in_dim3A_59 : vector<8x1xf32>
    %add3A_63 = arith.addf %broadcast_in_dim3A_56, %log3A : vector<8x1xf32>
    %div3A_64 = arith.divf %broadcast_in_dim3A_62, %broadcast_in_dim3A_59 : vector<8x1xf32>
    %sub3A_65 = arith.subf %add3A_63, %div3A_64 : vector<8x1xf32>
    %swap3A_66 = arith.constant 0 : index
    %swap3A_67 = arith.constant 0 : index
    %swap3A_68 = arith.constant 0 : index
    %swap3A_69 = vector.load %arg15[%swap3A_66, %swap3A_67, %swap3A_68] : memref<1x8x1xf32, #tpu.memory_space<vmem>>, vector<1x8x1xf32>
    %swap3A_70 = vector.shape_cast %swap3A_69 : vector<1x8x1xf32> to vector<8x1xf32>
    %swap3A_71 = vector.shape_cast %sub3A_65 : vector<8x1xf32> to vector<1x8x1xf32>
    tpu.vector_store %arg15[%swap3A_66, %swap3A_67, %swap3A_68], %swap3A_71 {strides = array<i32>} : memref<1x8x1xf32, #tpu.memory_space<vmem>>, vector<1x8x1xf32>,
    %add3A_72 = arith.addf %select_n3A, %get3A_23 : vector<8x8192xf32>
    %reduce_max3A_73 = arith.constant dense<0xFF800000> : vector<8xf32>
    %reduce_max3A_74 = vector.multi_reduction <maximumf>, %add3A_72, %reduce_max3A_73 [1] : vector<8x8192xf32> to vector<8xf32>
    %broadcast_in_dim3A_75 = vector.shape_cast %reduce_max3A_74 : vector<8xf32> to vector<8x1xf32>
    %iota3A = tpu.iota {dimensions = array<i32: 1>} : vector<8x8192xi32>
    %eq3A = vector.broadcast %broadcast_in_dim3A_75 : vector<8x1xf32> to vector<8x8192xf32>
    %eq3A_76 = arith.cmpf oeq, %add3A_72, %eq3A : vector<8x8192xf32>
    %jit3A_77 = arith.constant 8192 : i32
    %broadcast_in_dim3A_78 = vector.broadcast %jit3A_77 : i32 to vector<8x8192xi32>
    %select_n3A_79 = arith.select %eq3A_76, %iota3A, %broadcast_in_dim3A_78 : vector<8x8192xi1>, vector<8x8192xi32>
    %reduce_min3A = arith.constant dense<2147483647> : vector<8xi32>
    %reduce_min3A_80 = vector.multi_reduction <minsi>, %select_n3A_79, %reduce_min3A [1] : vector<8x8192xi32> to vector<8xi32>
    %broadcast_in_dim3A_81 = vector.shape_cast %reduce_min3A_80 : vector<8xi32> to vector<8x1xi32>
    %eq3A_82 = vector.broadcast %broadcast_in_dim3A_81 : vector<8x1xi32> to vector<8x8192xi32>
    %eq3A_83 = arith.cmpi eq, %iota3A, %eq3A_82 : vector<8x8192xi32>
    %jit3A_84 = arith.constant 0xFF800000 : f32
    %broadcast_in_dim3A_85 = vector.broadcast %jit3A_84 : f32 to vector<8x8192xf32>
    %select_n3A_86 = arith.select %eq3A_83, %select_n3A, %broadcast_in_dim3A_85 : vector<8x8192xi1>, vector<8x8192xf32>
    %reduce_max3A_87 = arith.constant dense<0xFF800000> : vector<8xf32>
    %reduce_max3A_88 = vector.multi_reduction <maximumf>, %select_n3A_86, %reduce_max3A_87 [1] : vector<8x8192xf32> to vector<8xf32>
    %broadcast_in_dim3A_89 = vector.shape_cast %reduce_max3A_88 : vector<8xf32> to vector<8x1xf32>
    %swap3A_90 = arith.constant 0 : index
    %swap3A_91 = arith.constant 0 : index
    %swap3A_92 = arith.constant 0 : index
    %swap3A_93 = vector.load %arg13[%swap3A_90, %swap3A_91, %swap3A_92] : memref<1x8x1xi32, #tpu.memory_space<vmem>>, vector<1x8x1xi32>
    %swap3A_94 = vector.shape_cast %swap3A_93 : vector<1x8x1xi32> to vector<8x1xi32>
    %swap3A_95 = vector.shape_cast %broadcast_in_dim3A_81 : vector<8x1xi32> to vector<1x8x1xi32>
    tpu.vector_store %arg13[%swap3A_90, %swap3A_91, %swap3A_92], %swap3A_95 {strides = array<i32>} : memref<1x8x1xi32, #tpu.memory_space<vmem>>, vector<1x8x1xi32>,
    %sub3A_96 = arith.subf %broadcast_in_dim3A_89, %add3A_63 : vector<8x1xf32>
    %swap3A_97 = arith.constant 0 : index
    %swap3A_98 = arith.constant 0 : index
    %swap3A_99 = arith.constant 0 : index
    %swap3A_100 = vector.load %arg14[%swap3A_97, %swap3A_98, %swap3A_99] : memref<1x8x1xf32, #tpu.memory_space<vmem>>, vector<1x8x1xf32>
    %swap3A_101 = vector.shape_cast %swap3A_100 : vector<1x8x1xf32> to vector<8x1xf32>
    %swap3A_102 = vector.shape_cast %sub3A_96 : vector<8x1xf32> to vector<1x8x1xf32>
    tpu.vector_store %arg14[%swap3A_97, %swap3A_98, %swap3A_99], %swap3A_102 {strides = array<i32>} : memref<1x8x1xf32, #tpu.memory_space<vmem>>, vector<1x8x1xf32>,
    %mul3A_103 = arith.constant 8192 : i32
    %mul3A_104 = arith.muli %arg0, %mul3A_103 : i32
    %add3A_105 = vector.broadcast %mul3A_104 : i32 to vector<8x1xi32>
    %add3A_106 = arith.addi %broadcast_in_dim3A_81, %add3A_105 : vector<8x1xi32>
    %swap3A_107 = arith.constant 0 : index
    %swap3A_108 = arith.constant 0 : index
    %swap3A_109 = arith.constant 0 : index
    %swap3A_110 = vector.load %arg17[%swap3A_107, %swap3A_108, %swap3A_109] : memref<1x8x1xi32, #tpu.memory_space<vmem>>, vector<1x8x1xi32>
    %swap3A_111 = vector.shape_cast %swap3A_110 : vector<1x8x1xi32> to vector<8x1xi32>
    %swap3A_112 = vector.shape_cast %add3A_106 : vector<8x1xi32> to vector<1x8x1xi32>
    tpu.vector_store %arg17[%swap3A_107, %swap3A_108, %swap3A_109], %swap3A_112 {strides = array<i32>} : memref<1x8x1xi32, #tpu.memory_space<vmem>>, vector<1x8x1xi32>,
    %get3A_113 = arith.constant 0 : index
    %get3A_114 = arith.constant 0 : index
    %get3A_115 = vector.load %arg10[%get3A_113, %get3A_114] : memref<128x1xf32, #tpu.memory_space<vmem>>, vector<128x1xf32>
    %dot_general3A_116 = arith.constant dense<0.000000e+00> : vector<8x1xf32>
    %dot_general3A_117 = tpu.matmul %get3A_8, %get3A_115, %dot_general3A_116 {dimension_numbers = #tpu.dot_dimension_numbers<[1], [0], [0], [1], [0, 0, 1, 1], [], []>, transpose_lhs_hint = false} : vector<8x128xf32>, vector<128x1xf32>, vector<8x1xf32> -> vector<8x1xf32>
    %get3A_118 = arith.constant 0 : index
    %get3A_119 = arith.constant 0 : index
    %get3A_120 = vector.load %arg11[%get3A_118, %get3A_119] : memref<1x1xf32, #tpu.memory_space<vmem>>, vector<1x1xf32>
    %add3A_121 = vector.broadcast %get3A_120 : vector<1x1xf32> to vector<8x1xf32>
    %add3A_122 = arith.addf %dot_general3A_117, %add3A_121 : vector<8x1xf32>
    %swap3A_123 = arith.constant 0 : index
    %swap3A_124 = arith.constant 0 : index
    %swap3A_125 = arith.constant 0 : index
    %swap3A_126 = vector.load %arg16[%swap3A_123, %swap3A_124, %swap3A_125] : memref<1x8x1xf32, #tpu.memory_space<vmem>>, vector<1x8x1xf32>
    %swap3A_127 = vector.shape_cast %swap3A_126 : vector<1x8x1xf32> to vector<8x1xf32>
    %swap3A_128 = vector.shape_cast %add3A_122 : vector<8x1xf32> to vector<1x8x1xf32>
    tpu.vector_store %arg16[%swap3A_123, %swap3A_124, %swap3A_125], %swap3A_128 {strides = array<i32>} : memref<1x8x1xf32, #tpu.memory_space<vmem>>, vector<1x8x1xf32>,
    return
  }
  func.func @transform_0(%arg0: i32) -> (i32, i32, i32) {
    %c0_i32 = arith.constant 0 : i32
    %c0_i32_0 = arith.constant 0 : i32
    %c0_i32_1 = arith.constant 0 : i32
    return %arg0, %c0_i32, %c0_i32_0 : i32, i32, i32
  }
  func.func @transform_1(%arg0: i32) -> (i32, i32, i32) {
    %c0_i32 = arith.constant 0 : i32
    %c0_i32_0 = arith.constant 0 : i32
    %c0_i32_1 = arith.constant 0 : i32
    return %arg0, %c0_i32, %c0_i32_0 : i32, i32, i32
  }
  func.func @transform_2(%arg0: i32) -> (i32, i32, i32) {
    %c0_i32 = arith.constant 0 : i32
    %c0_i32_0 = arith.constant 0 : i32
    %c0_i32_1 = arith.constant 0 : i32
    return %arg0, %c0_i32, %c0_i32_0 : i32, i32, i32
  }
  func.func @transform_3(%arg0: i32) -> (i32, i32, i32) {
    %c0_i32 = arith.constant 0 : i32
    %c0_i32_0 = arith.constant 0 : i32
    %c0_i32_1 = arith.constant 0 : i32
    return %arg0, %c0_i32, %c0_i32_0 : i32, i32, i32
  }
  func.func @transform_4(%arg0: i32) -> (i32, i32, i32) {
    %c0_i32 = arith.constant 0 : i32
    %c0_i32_0 = arith.constant 0 : i32
    %c0_i32_1 = arith.constant 0 : i32
    return %arg0, %c0_i32, %c0_i32_0 : i32, i32, i32
  }
  func.func @transform_5(%arg0: i32) -> (i32, i32) {
    %c0_i32 = arith.constant 0 : i32
    %c0_i32_0 = arith.constant 0 : i32
    %c0_i32_1 = arith.constant 0 : i32
    return %c0_i32, %c0_i32_0 : i32, i32
  }
  func.func @transform_6(%arg0: i32) -> (i32, i32) {
    %c0_i32 = arith.constant 0 : i32
    %c0_i32_0 = arith.constant 0 : i32
    %c0_i32_1 = arith.constant 0 : i32
    return %c0_i32, %c0_i32_0 : i32, i32
  }
  func.func @transform_7(%arg0: i32) -> (i32, i32) {
    %c0_i32 = arith.constant 0 : i32
    %c0_i32_0 = arith.constant 0 : i32
    %c0_i32_1 = arith.constant 0 : i32
    return %c0_i32, %c0_i32_0 : i32, i32
  }
  func.func @transform_8(%arg0: i32) -> (i32, i32) {
    %c0_i32 = arith.constant 0 : i32
    %c0_i32_0 = arith.constant 0 : i32
    %c0_i32_1 = arith.constant 0 : i32
    return %c0_i32, %c0_i32_0 : i32, i32
  }
  func.func @transform_9(%arg0: i32) -> (i32, i32) {
    %c0_i32 = arith.constant 0 : i32
    %c0_i32_0 = arith.constant 0 : i32
    %c0_i32_1 = arith.constant 0 : i32
    return %c0_i32, %c0_i32_0 : i32, i32
  }
  func.func @transform_10(%arg0: i32) -> (i32, i32) {
    %c0_i32 = arith.constant 0 : i32
    %c0_i32_0 = arith.constant 0 : i32
    %c0_i32_1 = arith.constant 0 : i32
    return %c0_i32, %c0_i32_0 : i32, i32
  }
  func.func @transform_11(%arg0: i32) -> (i32, i32, i32) {
    %c0_i32 = arith.constant 0 : i32
    %c0_i32_0 = arith.constant 0 : i32
    %c0_i32_1 = arith.constant 0 : i32
    return %arg0, %c0_i32, %c0_i32_0 : i32, i32, i32
  }
  func.func @transform_12(%arg0: i32) -> (i32, i32, i32) {
    %c0_i32 = arith.constant 0 : i32
    %c0_i32_0 = arith.constant 0 : i32
    %c0_i32_1 = arith.constant 0 : i32
    return %arg0, %c0_i32, %c0_i32_0 : i32, i32, i32
  }
  func.func @transform_13(%arg0: i32) -> (i32, i32, i32) {
    %c0_i32 = arith.constant 0 : i32
    %c0_i32_0 = arith.constant 0 : i32
    %c0_i32_1 = arith.constant 0 : i32
    return %arg0, %c0_i32, %c0_i32_0 : i32, i32, i32
  }
  func.func @transform_14(%arg0: i32) -> (i32, i32, i32) {
    %c0_i32 = arith.constant 0 : i32
    %c0_i32_0 = arith.constant 0 : i32
    %c0_i32_1 = arith.constant 0 : i32
    return %arg0, %c0_i32, %c0_i32_0 : i32, i32, i32
  }
  func.func @transform_15(%arg0: i32) -> (i32, i32, i32) {
    %c0_i32 = arith.constant 0 : i32
    %c0_i32_0 = arith.constant 0 : i32
    %c0_i32_1 = arith.constant 0 : i32
    return %arg0, %c0_i32, %c0_i32_0 : i32, i32, i32
  }
  func.func @transform_16(%arg0: i32) -> (i32, i32, i32) {
    %c0_i32 = arith.constant 0 : i32
    %c0_i32_0 = arith.constant 0 : i32
    %c0_i32_1 = arith.constant 0 : i32
    return %arg0, %c0_i32, %c0_i32_0 : i32, i32, i32
  }
}

</mosaic_0001>

<sc_bundles>
// kernel: kernel.4.cloned.1.call-start
scs
__scs_entry_jumppad:
0x0: {  	(pc) =	sbr.rel $0x88, $3  }
0x1: {  	(tag) =	ssettag $0x0;
	lr =	simm.s32 $0x1  }
0x2: {  	[smem:$0x3F97] =	sst lr;
	_ =	strace $0xD0000000  }
0x3: {  	_ = 	snop  }
0x4: {  	_ = 	snop  }
0x5: {  	_ = 	snop  }
0x6: {  	_ = 	snop  }
0x7: {  	_ = 	snop  }
__scs_overlays_trampoline_lowered:
0x8: {  	[smem:$0x3FA6] =	sst s0  }
0x9: {  	[smem:$0x3FA7] =	sst s1  }
0xa: {  	[smem:$0x3FA8] =	sst s2  }
0xb: {  	[smem:$0x3FA9] =	sst s3  }
0xc: {  	[smem:$0x3FAA] =	sst s4  }
0xd: {  	[smem:$0x3FAB] =	sst s5  }
0xe: {  	[smem:$0x3FAC] =	sst s6  }
0xf: {  	[smem:$0x3FAD] =	sst s7  }
0x10: {  	[smem:$0x3FAE] =	sst s8  }
0x11: {  	[smem:$0x3FAF] =	sst s9;
	s0 =	simm.s32 @!p0 $0x0  }
0x12: {  	s1 =	sld [smem:$0x3F95];
	s0 =	simm.s32 @p0 $0x1  }
0x13: {  	[smem:$0x3FB0] =	sst s0;
	s0 =	simm.s32 @!p1 $0x0  }
0x14: {  	s2 =	sld [smem:$0x3F94];
	s0 =	simm.s32 @p1 $0x1  }
0x15: {  	[smem:$0x3FB1] =	sst s0;
	s0 =	simm.s32 @!p2 $0x0  }
0x16: {  	s3 =	sld [smem:$0x3FDB];
	s0 =	simm.s32 @p2 $0x1  }
0x17: {  	s4 =	simm.s32 $0x1BF5;
	[smem:$0x3FB3] =	sst s0  }
0x18: {  	s0 =	sld [smem:$0x3F96];
	_ =	swait.ge [sflag:s4], $0x0  }
0x19: {  	s7 =	sld [smem:$0x3F97]  }
0x1a: {  	s8 =	sadd.s32 $0xFFFFE003, lr  }
0x1b: {  	s9 =	sadd.s32 $0xFFFFFEF7, lr;
	s5 =	simm.s32 $0xFFFFFFFF;
	p2 =	slt.u32 s8, $0xFFFFF086  }
0x1c: {  	p1 =	slt.u32 s9, $0xF7A;
	s5 =	simm.s32 @!p2 $0x0  }
0x1d: {  	s5 =	simm.s32 @p1 $0x1;
	p0 =	seq.s32 s7, s2  }
0x1e: {  	s7 =	smul.u32 @!p0 $0xF7A, s2;
	p2 =	seq.s32 @!p0 s5, $0x0  }
0x1f: {  	s9 =	smul.u32 $0xF7A, s1;
	s8 =	simm.s32 @!p0 $0x1BF5;
	p2 =	por !p2, p0  }
0x20: {  	[sflag:s8] =	ssyncset.s32 @!p0 $0xFFFFF086;
	s6 =	sadd.s32 @!p0 s3, s7;
	s7 =	simm.s32 @!p0 $0x108  }
0x21: {  	s3 =	sadd.s32 s3, s9;
	s6 =	sadd.s32 @!p0 $0x88, s6;
	s7 =	simm.s32 @p2 $0x1082  }
0x22: {  	[simem:s7], [sflag:s8] =	dma.local @!p0 [hbm:s6], $0xF7A  }
0x23: {  	s9 =	sor.u32 $0xD0000000, s2;
	s6 =	simm.s32 $0x108;
	_ =	swait.ge @!p0 [sflag:s8], $0x0  }
0x24: {  	s3 =	sadd.s32 $0x88, s3;
	s6 =	simm.s32 @!p1 $0x1082;
	[sflag:s4] =	ssyncset.s32 $0xFFFFF086  }
0x25: {  	[simem:s6], [sflag:s4] =	dma.local [hbm:s3], $0xF7A  }
0x26: {  	[smem:$0x3F97] =	sst s1;
	(tag) =	ssettag s2;
	_ =	strace s9  }
0x27: {  	s1 =	sld [smem:$0x3FA7]  }
0x28: {  	s2 =	sld [smem:$0x3FA8]  }
0x29: {  	s4 =	sld [smem:$0x3FAA]  }
0x2a: {  	p0 =	seq.s32 s5, $0x0;
	s5 =	sld [smem:$0x3FAB]  }
0x2b: {  	s6 =	sld [smem:$0x3FAC]  }
0x2c: {  	s7 =	sld [smem:$0x3FAD]  }
0x2d: {  	s3 =	simm.s32 $0x108;
	s8 =	sld [smem:$0x3FAE]  }
0x2e: {  	s3 =	simm.s32 @!p0 $0x1082;
	s9 =	sld [smem:$0x3FAF]  }
0x2f: {  	lr =	sadd.s32 s0, s3;
	s0 =	sld [smem:$0x3FA6]  }
0x30: {  	s3 =	sld [smem:$0x3FA9]  }
0x31: {  	[smem:$0x3FB2] =	sst s10  }
0x32: {  	s10 =	sld [smem:$0x3FB0];
	_ =	sdelay $0x3  }
0x33: {  	p0 =	seq.s32 s10, $0x1;
	s10 =	sld [smem:$0x3FB2];
	_ =	sdelay $0x3  }
0x34: {  	[smem:$0x3FB2] =	sst s10  }
0x35: {  	s10 =	sld [smem:$0x3FB1];
	_ =	sdelay $0x3  }
0x36: {  	p1 =	seq.s32 s10, $0x1;
	s10 =	sld [smem:$0x3FB2];
	_ =	sdelay $0x3  }
0x37: {  	[smem:$0x3FB2] =	sst s10  }
0x38: {  	s10 =	sld [smem:$0x3FB3]  }
0x39: {  	_ = 	snop;
	(pc) =	sbr.ind lr, $3  }
0x3a: {  	_ = 	snop  }
0x3b: {  	_ = 	snop  }
0x3c: {  	p2 =	seq.s32 s10, $0x1;
	s10 =	sld [smem:$0x3FB2]  }
0x3d: {  	_ =	shalt  }
0x3e: {  	_ =	shalt  }
0x3f: {  	_ =	shalt  }
0x40: {  	_ =	shalt  }
0x41: {  	_ =	shalt  }
0x42: {  	_ =	shalt  }
0x43: {  	_ =	shalt  }
0x44: {  	_ =	shalt  }
0x45: {  	_ =	shalt  }
0x46: {  	_ =	shalt  }
0x47: {  	_ =	shalt  }
0x48: {  	_ =	shalt  }
0x49: {  	_ =	shalt  }
0x4a: {  	_ =	shalt  }
0x4b: {  	_ =	shalt  }
0x4c: {  	_ =	shalt  }
0x4d: {  	_ =	shalt  }
0x4e: {  	_ =	shalt  }
0x4f: {  	_ =	shalt  }
0x50: {  	_ =	shalt  }
0x51: {  	_ =	shalt  }
0x52: {  	_ =	shalt  }
0x53: {  	_ =	shalt  }
0x54: {  	_ =	shalt  }
0x55: {  	_ =	shalt  }
0x56: {  	_ =	shalt  }
0x57: {  	_ =	shalt  }
0x58: {  	_ =	shalt  }
0x59: {  	_ =	shalt  }
0x5a: {  	_ =	shalt  }
0x5b: {  	_ =	shalt  }
0x5c: {  	_ =	shalt  }
0x5d: {  	_ =	shalt  }
0x5e: {  	_ =	shalt  }
0x5f: {  	_ =	shalt  }
0x60: {  	_ =	shalt  }
0x61: {  	_ =	shalt  }
0x62: {  	_ =	shalt  }
0x63: {  	_ =	shalt  }
0x64: {  	_ =	shalt  }
0x65: {  	_ =	shalt  }
0x66: {  	_ =	shalt  }
0x67: {  	_ =	shalt  }
0x68: {  	_ =	shalt  }
0x69: {  	_ =	shalt  }
0x6a: {  	_ =	shalt  }
0x6b: {  	_ =	shalt  }
0x6c: {  	_ =	shalt  }
0x6d: {  	_ =	shalt  }
0x6e: {  	_ =	shalt  }
0x6f: {  	_ =	shalt  }
0x70: {  	_ =	shalt  }
0x71: {  	_ =	shalt  }
0x72: {  	_ =	shalt  }
0x73: {  	_ =	shalt  }
0x74: {  	_ =	shalt  }
0x75: {  	_ =	shalt  }
0x76: {  	_ =	shalt  }
0x77: {  	_ =	shalt  }
0x78: {  	_ =	shalt  }
0x79: {  	_ =	shalt  }
0x7a: {  	_ =	shalt  }
0x7b: {  	_ =	shalt  }
0x7c: {  	_ =	shalt  }
0x7d: {  	_ =	shalt  }
0x7e: {  	_ =	shalt  }
0x7f: {  	_ =	shalt  }
0x80: {  	_ =	shalt  }
0x81: {  	_ =	shalt  }
0x82: {  	_ =	shalt  }
0x83: {  	_ =	shalt  }
0x84: {  	_ =	shalt  }
0x85: {  	_ =	shalt  }
0x86: {  	_ =	shalt  }
0x87: {  	_ =	shalt  }
.Lfunc_end0:
.L_simem_size_0:
called_computation_lowered:
.L_overlay_start_0:
0x88: {  	s2 =	sld [smem:$0x3FD9]  }
0x89: {  	s3 =	sld [smem:$0x3FFE];
	_ =	sdelay $0x1  }
0x8a: {  	s1 =	srdreg.scid  }
0x8b: {  	s0 =	sand.u32 $0x1, s1  }
0x8c: {  	s14 =	sshll.u32 s0, $0xA;
	s2 =	sadd.s32 s3, s2  }
0x8d: {  	s2 =	sadd.s32 s2, s14  }
0x8e: {  	[smem:$0x3FBE] =	sst s2  }
0x8f: {  	_ = 	snop  }
0x90: {  	s2 =	sld [smem:$0x3FD0];
	_ =	sdelay $0x2  }
0x91: {  	s4 =	simm.s32 $0xA;
	s5 =	simm.s32 $0x10;
	s15 =	sld [smem:$0x3FC7]  }
0x92: {  	[smem:s5], [sflag:s4] =	dma.local [hbm:s2], $0x1  }
0x93: {  	_ =	swait.eq [sflag:s4], $0x1  }
0x94: {  	[sflag:s4] =	ssyncset.done $0x0  }
0x95: {  	[sflag:s4] =	ssyncadd.s32 $0xFFFFFFFF  }
0x96: {  	s16 =	sld [smem:$0x14];
	(tm) =	ssettm $0x1  }
0x97: {  	s17 =	sld [smem:$0x3FFB];
	_ =	sdelay $0x3  }
0x98: {  	_ =	strace s17  }
0x99: {  	s4 =	sld [smem:$0x3FFC];
	_ =	sdelay $0x3  }
0x9a: {  	_ =	strace s4  }
0x9b: {  	s4 =	sld [smem:$0x3FFD];
	_ =	sdelay $0x3  }
0x9c: {  	_ =	strace s4  }
0x9d: {  	_ =	strace $0x8FFFFFFF  }
0x9e: {  	s18 =	sld [smem:$0x3FDB];
	_ =	sdelay $0x1  }
0x9f: {  	s19 =	simm.s32 $_scs_section_size  }
0xa0: {  	s6 =	simm.s32 $_size__tile_overlayer_lowered;
	s7 =	simm.s32 $_tile_overlayer_lowered  }
0xa1: {  	s22 =	simm.s32 $0x1BFF;
	s21 =	sshll.u32 s7, $0x1;
	s4 =	sadd.s32 s19, s18  }
0xa2: {  	s8 =	simm.s32 $0x0;
	s20 =	sshll.u32 s6, $0x1;
	s6 =	sadd.s32 s21, s4  }
0xa3: {  	[timem:s8], [sflag:s22] =	dma.local [hbm:s6], s20  }
0xa4: {  	_ =	swait.ge [sflag:s22], s20  }
0xa5: {  	s5 =	ssub.s32 $0x0, s20;
	[sflag:s22] =	ssyncset.done $0x0  }
0xa6: {  	[sflag:s22] =	ssyncadd.s32 s5;
	_ =	sdelay $0x1  }
0xa7: {  	s23 =	simm.s32 $0x1B8B  }
0xa8: {  	_ =	swait.ge [sflag:s23], $0x1  }
0xa9: {  	[sflag:s23] =	ssyncset.done $0x0  }
0xaa: {  	s25 =	simm.s32 $0x1B8E;
	s24 =	sld [smem:$0x3FFE];
	[sflag:s23] =	ssyncadd.s32 $0xFFFFFFFF  }
0xab: {  	s26 =	simm.s32 $execute0_lowered;
	[smem:$0x3FD2] =	sst s25  }
0xac: {  	s6 =	sshll.u32 s26, $0x1;
	_ =	strace $0x80000046;
	[dreg:$0x1] =	wrdreg $0xFFFFFFFF  }
0xad: {  	s28 =	simm.s32 $_size_execute0_lowered;
	s4 =	sadd.s32 s4, s6;
	[dreg:$0x0] =	wrdreg $0x0  }
0xae: {  	s6 =	sshll.u32 s28, $0x1;
	[dreg:$0x2] =	wrdreg s4  }
0xaf: {  	[dreg:$0x3] =	wrdreg s6  }
0xb0: {  	[dreg:$0x4] =	wrdreg $0xC0  }
0xb1: {  	_ =	task [dreg:s8], $0x5FFFF  }
0xb2: {  	[dreg:$0x1] =	wrdreg $0xFFFFFFFF  }
0xb3: {  	[dreg:$0x0] =	wrdreg $0x60  }
0xb4: {  	[dreg:$0x2] =	wrdreg s15  }
0xb5: {  	[dreg:$0x3] =	wrdreg s24  }
0xb6: {  	[dreg:$0x4] =	wrdreg s16  }
0xb7: {  	[dreg:$0x5] =	wrdreg $0x9  }
0xb8: {  	_ =	task.clear_ibuf [dreg:s8], $0x6FFFF;
	_ =	strace $0x90000046  }
0xb9: {  	s29 =	simm.s32 $0x9;
	_ =	strace $0x80000048  }
0xba: {  	_ =	swait.ge [sflag:s29], $0x1  }
0xbb: {  	[sflag:s29] =	ssyncadd.s32 $0xFFFFFFFF  }
0xbc: {  	_ =	strace $0x90000048  }
0xbd: {  	_ =	sfence  }
0xbe: {  	s30 =	sld [smem:$0x0];
	_ =	sdelay $0x2  }
0xbf: {  	s31 =	sshll.u32 s1, $0xD;
	s1 =	sshrl.u32 s1, $0x2  }
0xc0: {  	s3 =	sand.u32 $0x4000, s31;
	s1 =	sadd.s32 s1, s30  }
0xc1: {  	s0 =	sor.u32 s3, s0;
	s1 =	sshll.u32 s1, $0x11  }
0xc2: {  	s0 =	sor.u32 s1, s0  }
0xc3: {  	s0 =	sadd.s32 $0x8F2B, s0  }
0xc4: {  	[sflag:s0] =	ssyncadd.remote.s32 $0x1  }
0xc5: {  	_ =	sfence.sel $0xFFFF  }
0xc6: {  	[dreg:$0x0] =	wrdreg $0xFFFFFFFF;
	(pc) =	sbr.abs _section_cstart, $3  }
0xc7: {  	[dreg:$0x1] =	wrdreg $0xFFFFFFFF  }
0xc8: {  	_ =	task.clear_ibuf [dreg:s8], $0x2FFFF;
	_ =	strace $0x9FFFFFFF  }
0xc9: {  	(tm) =	ssettm $0x7FFFFFFF  }
tec
execute0_lowered:
.L_overlay_start_1:
0x0: {  	(tag) =	ssettag $0x1  }
0x1: {  	s2 =	srdreg.scid  }
0x2: {  	s1 =	rddreg [dreg:$0x0];
	s0 =	stileid.u32;
	s6 =	sand.u32 $0x1, s2  }
0x3: {  	s4 =	rddreg [dreg:$0x1];
	s30 =	sshll.u32 s0, $0x5;
	s3 =	sshll.u32 s6, $0x4  }
0x4: {  	s9 =	rddreg [dreg:$0x2];
	s10 =	sor.u32 s3, s30  }
0x5: {  	s2 =	rddreg [dreg:$0x3];
	s3 =	simm.s32 $0x0;
	s5 =	sshrl.u32 s10, $0x3  }
0x6: {  	s11 =	ssub.s32 $0x2, s6;
	[smem:$0x7FF] =	sst s3;
	s4 =	sadd.s32 s5, s4  }
0x7: {  	_ =	strace $0x80000047;
	s5 =	sadd.s32 $0x9A00, s4;
	s4 =	simm.s32 $0x2  }
0x8: {  	[tilespmem:s3], [sflag:$0x2] =	stream.linear.gather [hbm4b:s5+s3], $0x10, $0x38;
	[tilespmem:$0x880] =	vst v63  }
0x9: {  	s7 =	simm.s32 $0x80;
	s12 =	sshrl.u32 s11, $0x1;
	_ =	swait.ge [sflag:s4], $0x10  }
0xa: {  	s8 =	simm.s32 $0x1;
	s11 =	ssub.s32 s11, s12;
	[sflag:s4] =	ssyncset.done $0x0  }
0xb: {  	s6 =	simm.s32 $0x10;
	s31 =	smax.u32 s11, $0x1;
	[sflag:s4] =	ssyncadd.s32 $0xFFFFFFF0  }
0xc: {  	[tilespmem:s7], [sflag:$0x1] =	stream.indirect.gather [hbm4b:s1+s6], $0x80, s3, s6, $0xb8;
	[tilespmem:$0x880] =	vst v63  }
0xd: {  	p0 =	sne.s32 s31, $0x1;
	_ =	swait.ge [sflag:s8], $0x800  }
.Ltmp0:
0xe: {  	s10 =	sshll.u32 s10, $0x4;
	[sflag:s8] =	ssyncset.done $0x0;
	(pc) =	sbr.rel @!p0 .LBB2_2-.Ltmp0, $4  }
0xf: {  	s9 =	sadd.s32 s9, s10;
	[sflag:s8] =	ssyncadd.s32 $0xFFFFF800  }
0x10: {  	[hbm4b:s9+s3] =	stream.linear.scatter [tilespmem:s7], [sflag:$0x2], $0x800, $0x38;
	[tilespmem:$0x880] =	vst v63  }
0x11: {  	_ =	swait.ge [sflag:s4], $0x800  }
0x12: {  	s10 =	sadd.s32 $0xFFFFFFFF, s31;
	[sflag:s4] =	ssyncset.done $0x0  }
.LBB2_1:
0x13: {  	p0 =	sne.s32 s10, $0x1;
	s10 =	sadd.s32 $0xFFFFFFFF, s10;
	[sflag:s4] =	ssyncadd.s32 $0xFFFFF800  }
0x14: {  	[tilespmem:s3], [sflag:$0x2] =	stream.linear.gather [hbm4b:s5+s3], $0x10, $0x38;
	[tilespmem:$0x880] =	vst v63  }
0x15: {  	_ =	swait.ge [sflag:s4], $0x10  }
0x16: {  	[sflag:s4] =	ssyncset.done $0x0  }
0x17: {  	[sflag:s4] =	ssyncadd.s32 $0xFFFFFFF0  }
0x18: {  	[tilespmem:s7], [sflag:$0x1] =	stream.indirect.gather [hbm4b:s1+s6], $0x80, s3, s6, $0xb8;
	[tilespmem:$0x880] =	vst v63  }
0x19: {  	_ =	swait.ge [sflag:s8], $0x800  }
.Ltmp1:
0x1a: {  	[sflag:s8] =	ssyncset.done $0x0;
	(pc) =	sbr.rel @p0 .LBB2_1-.Ltmp1, $4  }
0x1b: {  	[sflag:s8] =	ssyncadd.s32 $0xFFFFF800  }
0x1c: {  	[hbm4b:s9+s3] =	stream.linear.scatter [tilespmem:s7], [sflag:$0x2], $0x800, $0x38;
	[tilespmem:$0x880] =	vst v63  }
0x1d: {  	_ =	swait.ge [sflag:s4], $0x800  }
0x1e: {  	[sflag:s4] =	ssyncset.done $0x0  }
.LBB2_2:
0x1f: {  	[sflag:s4] =	ssyncadd.s32 $0xFFFFF800  }
0x20: {  	_ =	sfence.sel $0x180000  }
0x21: {  	[bflag:$0x0] =	sbarrier.arrive $0xFFFF  }
0x22: {  	p0 =	sne.s32 s0, $0x0;
	_ =	strace $0x90000047  }
0x23: {  	s0 =	sadd.s32 @!p0 $0x100000, s2;
	[bflag:$0x2] =	sbarrier.arrive $0xFFFF  }
0x24: {  	[sflag:s0] =	ssyncadd.tile.s32 @!p0 $0x1;
	_ =	shalt  }
.Lfunc_end2:
_tile_overlayer_lowered:
.L_overlay_start_2:
0x25: {  	(tag) =	ssettag $0x2  }
0x26: {  	s0 =	rddreg [dreg:$0x0];
	s2 =	stileid.u32  }
0x27: {  	s1 =	rddreg [dreg:$0x1];
	p0 =	sne.s32 s2, $0x0  }
0x28: {  	s3 =	rddreg [dreg:$0x2];
	[bflag:$0x3] =	sbarrier.arrive $0xFFFF;
	s2 =	simm.s32 @!p0 $0x1C02  }
0x29: {  	[timem:s3], [sflag:s2] =	dma.local @!p0 [hbm:s0], s1  }
0x2a: {  	s0 =	simm.s32 @!p0 $0x2  }
0x2b: {  	_ =	swait.ge @!p0 [sflag:s0], s1  }
0x2c: {  	s1 =	ssub.s32 @!p0 $0x0, s1;
	[sflag:s0] =	ssyncset.done @!p0 $0x0  }
0x2d: {  	[sflag:s0] =	ssyncadd.s32 @!p0 s1  }
0x2e: {  	[bflag:$0x3] =	sbarrier.arrive $0xFFFF  }
0x2f: {  	_ =	shalt  }

</sc_bundles>
